<compile_context>
chip_gen: v7x
topology: tpu7x:2x2x1
jax: 0.10.2.dev20260603
libtpu: 0.0.44.dev20260713+nightly
codegen_flags: <defaults>
</compile_context>

<pallas_src>
import functools

import jax
import jax.numpy as jnp
from jax import lax
from jax.experimental import pallas as pl
from jax.experimental.pallas import tpu as pltpu
from jax.experimental.pallas import tpu_sc as plsc

CLOSED = 64
KN = 32768
UN_ELEMS = 32768 * CLOSED
TOTAL_FLAT = 65536 * CLOSED
B2 = 256
GRID = 512 // B2

NC, NS, L = 2, 16, 16
NW = NC * NS
B_PER_W = KN // NW
IDX_ROWS = B_PER_W // 128
CH_PER_ROW = 128 // L


def _tc_body(x4_ref, lse_ref, relu_ref):
    pid = pl.program_id(0)

    @pl.when(pid == 0)
    def _init():
        lse_ref[0, 0] = 0.0
        relu_ref[0, 0] = 0.0

    blk = x4_ref[...]

    @pl.when(pid < GRID // 2)
    def _known():
        e = jnp.exp(blk)
        s = jnp.sum(jnp.sum(e, axis=0), axis=1)
        lse_ref[0, 0] += jnp.sum(jnp.log(s))

    @pl.when(pid >= GRID // 2)
    def _unknown():
        relu_ref[0, 0] += jnp.sum(jnp.maximum(blk + 2.0, 0.0))


def _sc_body(xf_hbm, y_hbm, out_hbm, y_v, idx_v, gt_v, out_v, sem):
    wid = lax.axis_index("s") * NC + lax.axis_index("c")
    base = wid * B_PER_W
    pltpu.sync_copy(y_hbm.at[pl.ds(base, B_PER_W)], y_v)

    lane = lax.iota(jnp.int32, L)

    def build(k, _):
        r = k // CH_PER_ROW
        c = k % CH_PER_ROW
        off = k * L
        qidx = base + off + lane
        yv = y_v[pl.ds(off, L)]
        idx_v[r, pl.ds(c * L, L)] = (
            (yv >> 3) * (KN * 2 * 8)
            + (qidx >> 7) * 1024
            + (yv & 7) * 128
            + (qidx & 127))
        return 0

    lax.fori_loop(0, B_PER_W // L, build, 0)

    copies = [
        pltpu.async_copy(xf_hbm.at[idx_v.at[r]], gt_v.at[r], sem)
        for r in range(IDX_ROWS)
    ]
    for cp in copies:
        cp.wait()

    def red(k, carry):
        s1, s2 = carry
        g = gt_v[k // CH_PER_ROW, pl.ds((k % CH_PER_ROW) * L, L)]
        return s1 + g, s2 + jnp.maximum(2.0 - g, 0.0)

    z = jnp.zeros((L,), jnp.float32)
    s1, s2 = lax.fori_loop(0, B_PER_W // L, red, (z, z))
    out_v[...] = s1
    pltpu.sync_copy(out_v, out_hbm.at[pl.ds(wid * 2 * L, L)])
    out_v[...] = s2
    pltpu.sync_copy(out_v, out_hbm.at[pl.ds((wid * 2 + 1) * L, L)])


@functools.partial(
    pl.kernel,
    out_type=jax.ShapeDtypeStruct((NW * 2 * L,), jnp.float32),
    mesh=plsc.VectorSubcoreMesh(
        core_axis_name="c", subcore_axis_name="s", num_cores=NC, num_subcores=NS
    ),
    scratch_types=[
        pltpu.VMEM((B_PER_W,), jnp.int32),
        pltpu.VMEM((IDX_ROWS, 128), jnp.int32),
        pltpu.VMEM((IDX_ROWS, 128), jnp.float32),
        pltpu.VMEM((L,), jnp.float32),
        pltpu.SemaphoreType.DMA,
    ],
)
def _sc_gather(xf_hbm, y_hbm, out_hbm, y_v, idx_v, gt_v, out_v, sem):
    _sc_body(xf_hbm, y_hbm, out_hbm, y_v, idx_v, gt_v, out_v, sem)


_dense = pl.pallas_call(
    _tc_body,
    grid=(GRID,),
    in_specs=[pl.BlockSpec((8, B2, 8, 128), lambda i: (0, i, 0, 0))],
    out_specs=[
        pl.BlockSpec(memory_space=pltpu.SMEM),
        pl.BlockSpec(memory_space=pltpu.SMEM),
    ],
    out_shape=[
        jax.ShapeDtypeStruct((1, 1), jnp.float32),
        jax.ShapeDtypeStruct((1, 1), jnp.float32),
    ],
)


def kernel(x, y):
    xt = jnp.transpose(x)
    y32 = y[:KN].astype(jnp.int32)

    x4 = jnp.transpose(jnp.reshape(xt, (8, 8, 512, 128)), (0, 2, 1, 3))
    xtile = jnp.reshape(x4, (TOTAL_FLAT,))

    lse_sum, relu_sum = _dense(x4)
    sc_out = _sc_gather(xtile, y32).reshape(NW, 2, L)

    gt_sum = jnp.sum(sc_out[:, 0, :])
    hinge_sum = jnp.sum(sc_out[:, 1, :])
    kn = jnp.float32(KN)
    loss_known1 = (lse_sum[0, 0] - gt_sum) / kn
    loss_known2 = hinge_sum / kn
    loss_unknown2 = relu_sum[0, 0] / jnp.float32(UN_ELEMS)
    return 0.5 * (loss_known2 + loss_unknown2) + loss_known1

# --- scband reference (transcript-rebuilt; emitter-appended) ---
"""Pipeline reference for scband-open-loss-61899068670645 (READ-ONLY COPY).

The authoritative reference and input builder live on the scoring server;
editing this copy changes nothing except your own understanding.
"""

import jax, jax.numpy as jnp
import numpy as np

CLOSED_WAY = 64
QUERY = 512
OPEN_WAY = 64
LAM = 0.5


def setup_inputs(seed: int = 0) -> dict:
    key = jax.random.key(seed)
    k1, k2 = jax.random.split(key)
    total_rows = CLOSED_WAY * QUERY + OPEN_WAY * QUERY
    x = jax.random.normal(k1, (total_rows, CLOSED_WAY), dtype=jnp.float32)
    y = jax.random.randint(k2, (total_rows,), 0, CLOSED_WAY, dtype=jnp.int64)
    return {"x": x, "y": y}


def reference(x, y):
    kn = CLOSED_WAY * QUERY
    un = OPEN_WAY * QUERY
    known_x = x[:kn, :]
    known_y = y[:kn]
    unknown_x = x[un:, :]

    # loss_known1: mean cross-entropy over known queries
    logp = jax.nn.log_softmax(known_x, axis=-1)
    nll = -jnp.take_along_axis(logp, known_y[:, None], axis=1)[:, 0]
    loss_known1 = jnp.mean(nll)

    # one-hot scatter + nonzero gather of ground-truth logits
    # (torch: zeros.scatter_(1, known_y, 1); nonzero; known_x[dim1[:,0], dim1[:,1]])
    # equivalent to gathering known_x at (row, label)
    one_hot = jnp.zeros((kn, CLOSED_WAY), dtype=jnp.float32).at[jnp.arange(kn), known_y].set(1.0)
    known_x_gt = jnp.sum(known_x * one_hot, axis=1)

    loss_known2 = jnp.mean(jnp.clip(2.0 - known_x_gt, 0.0, None))
    loss_unknown2 = jnp.mean(jnp.clip(unknown_x + 2.0, 0.0, None))

    total_loss = LAM * (loss_known2 + loss_unknown2) + loss_known1
    return total_loss

if __name__ == "__main__":
    import jax
    _d = setup_inputs()
    print(jax.jit(kernel)(*tuple(_d.values())))

</pallas_src>

<mosaic_0001>
#map = affine_map<(d0, d1) -> (0)>
module attributes {stable_mosaic.version = 14 : i64} {
  func.func @_sc_gather(%arg0: i32, %arg1: i32, %arg2: memref<4194304xf32, #tpu.memory_space<hbm>>, %arg3: memref<32768xi32, #tpu.memory_space<hbm>>, %arg4: memref<1024xf32, #tpu.memory_space<hbm>>, %arg5: memref<1024xi32, #tpu.memory_space<vmem>>, %arg6: memref<8x128xi32, #tpu.memory_space<vmem>>, %arg7: memref<8x128xf32, #tpu.memory_space<vmem>>, %arg8: memref<16xf32, #tpu.memory_space<vmem>>, %arg9: memref<!tpu.dma_semaphore, #tpu.memory_space<semaphore_mem>>) attributes {dimension_semantics = [#tpu.dimension_semantics<core_parallel>, #tpu.dimension_semantics<subcore_parallel>], iteration_bounds = array<i64: 2, 16>, scalar_prefetch = 0 : i64, scratch_operands = 5 : i64, tpu.core_type = #tpu.core_type<sc_vector_subcore>, window_params = [{transform_indices = #map}, {transform_indices = #map}, {transform_indices = #map}]} {
    %mul3A = arith.constant 2 : i32
    %mul3A_0 = arith.muli %arg1, %mul3A : i32
    %add3A = arith.addi %mul3A_0, %arg0 : i32
    %mul3A_1 = arith.constant 1024 : i32
    %mul3A_2 = arith.muli %add3A, %mul3A_1 : i32
    "tpu.region"() ({
      %run_scoped3A = tpu.sem_alloc : memref<!tpu.dma_semaphore, #tpu.memory_space<semaphore_mem>>
      %dma_start3A_191 = tpu.memref_slice %arg3[%mul3A_2] : memref<32768xi32, #tpu.memory_space<hbm>> -> memref<1024xi32, #tpu.memory_space<hbm>>
      %dma_start3A_192 = tpu.memref_slice %arg3[%mul3A_2] : memref<32768xi32, #tpu.memory_space<hbm>> -> memref<1024xi32, #tpu.memory_space<hbm>>
      tpu.enqueue_dma source(%dma_start3A_192 : memref<1024xi32, #tpu.memory_space<hbm>>) target(%arg5 : memref<1024xi32, #tpu.memory_space<vmem>>) target_semaphore(%run_scoped3A : memref<!tpu.dma_semaphore, #tpu.memory_space<semaphore_mem>>)
      %dma_wait3A_193 = tpu.memref_slice %arg3[%mul3A_2] : memref<32768xi32, #tpu.memory_space<hbm>> -> memref<1024xi32, #tpu.memory_space<hbm>>
      %dma_wait3A_194 = tpu.memref_slice %arg3[%mul3A_2] : memref<32768xi32, #tpu.memory_space<hbm>> -> memref<1024xi32, #tpu.memory_space<hbm>>
      tpu.wait_dma2 semaphore(%run_scoped3A : memref<!tpu.dma_semaphore, #tpu.memory_space<semaphore_mem>>) src(%dma_wait3A_194 : memref<1024xi32, #tpu.memory_space<hbm>>) dst(%arg5 : memref<1024xi32, #tpu.memory_space<vmem>>)
      tpu.yield
    }) : () -> ()
    %iota3A = tpu.iota {dimensions = array<i32: 0>} : vector<16xi32>
    %scan3A = arith.constant 0 : i32
    %scan3A_3 = arith.constant 0 : i32
    %scan3A_4 = arith.constant 64 : i32
    %scan3A_5 = arith.addi %scan3A_3, %scan3A_4 : i32
    %scan3A_6 = arith.constant 1 : i32
    %scan3A_7 = scf.for %scan3A_191 = %scan3A_3 to %scan3A_5 step %scan3A_6 iter_args(%scan3A_192 = %scan3A) -> (i32)  : i32 {
      %jit3A = arith.constant 8 : i32
      %div3A = arith.divsi %scan3A_191, %jit3A : i32
      %sign3A = arith.constant 0 : i32
      %sign3A_193 = arith.cmpi sgt, %scan3A_191, %sign3A : i32
      %sign3A_194 = arith.extui %sign3A_193 : i1 to i32
      %sign3A_195 = arith.constant 0 : i32
      %sign3A_196 = arith.cmpi slt, %scan3A_191, %sign3A_195 : i32
      %sign3A_197 = arith.extui %sign3A_196 : i1 to i32
      %sign3A_198 = arith.subi %sign3A_194, %sign3A_197 : i32
      %sign3A_199 = arith.constant 0 : i32
      %sign3A_200 = arith.cmpi sgt, %jit3A, %sign3A_199 : i32
      %sign3A_201 = arith.extui %sign3A_200 : i1 to i32
      %sign3A_202 = arith.constant 0 : i32
      %sign3A_203 = arith.cmpi slt, %jit3A, %sign3A_202 : i32
      %sign3A_204 = arith.extui %sign3A_203 : i1 to i32
      %sign3A_205 = arith.subi %sign3A_201, %sign3A_204 : i32
      %ne3A = arith.cmpi ne, %sign3A_198, %sign3A_205 : i32
      %rem3A = arith.remsi %scan3A_191, %jit3A : i32
      %ne3A_206 = arith.constant 0 : i32
      %ne3A_207 = arith.cmpi ne, %rem3A, %ne3A_206 : i32
      %and3A = arith.andi %ne3A, %ne3A_207 : i1
      %sub3A = arith.constant 1 : i32
      %sub3A_208 = arith.subi %div3A, %sub3A : i32
      %select_n3A = arith.select %and3A, %sub3A_208, %div3A : i32
      %jit3A_209 = arith.constant 8 : i32
      %eq3A = arith.constant 0 : i32
      %eq3A_210 = arith.cmpi eq, %jit3A_209, %eq3A : i32
      %jit3A_211 = arith.constant 1 : i32
      %select_n3A_212 = arith.select %eq3A_210, %jit3A_211, %jit3A_209 : i32
      %rem3A_213 = arith.remsi %scan3A_191, %select_n3A_212 : i32
      %ne3A_214 = arith.constant 0 : i32
      %ne3A_215 = arith.cmpi ne, %rem3A_213, %ne3A_214 : i32
      %lt3A = arith.constant 0 : i32
      %lt3A_216 = arith.cmpi slt, %rem3A_213, %lt3A : i32
      %lt3A_217 = arith.constant 0 : i32
      %lt3A_218 = arith.cmpi slt, %select_n3A_212, %lt3A_217 : i32
      %ne3A_219 = arith.xori %lt3A_216, %lt3A_218 : i1
      %and3A_220 = arith.andi %ne3A_219, %ne3A_215 : i1
      %add3A_221 = arith.addi %rem3A_213, %select_n3A_212 : i32
      %select_n3A_222 = arith.select %and3A_220, %add3A_221, %rem3A_213 : i32
      %mul3A_223 = arith.constant 16 : i32
      %mul3A_224 = arith.muli %scan3A_191, %mul3A_223 : i32
      %add3A_225 = arith.addi %mul3A_2, %mul3A_224 : i32
      %add3A_226 = vector.broadcast %add3A_225 : i32 to vector<16xi32>
      %add3A_227 = arith.addi %add3A_226, %iota3A : vector<16xi32>
      %get3A = arith.index_cast %mul3A_224 : i32 to index
      %get3A_228 = tpu.vector_load %arg5[%get3A] {strides = array<i32>} : memref<1024xi32, #tpu.memory_space<vmem>>, vector<16xi32>,
      %get3A_229 = vector.shape_cast %get3A_228 : vector<16xi32> to vector<16xi32>
      %shift_right_arithmetic3A = arith.constant 3 : i32
      %shift_right_arithmetic3A_230 = vector.broadcast %shift_right_arithmetic3A : i32 to vector<16xi32>
      %shift_right_arithmetic3A_231 = arith.shrsi %get3A_229, %shift_right_arithmetic3A_230 : vector<16xi32>
      %mul3A_232 = arith.constant 524288 : i32
      %mul3A_233 = vector.broadcast %mul3A_232 : i32 to vector<16xi32>
      %mul3A_234 = arith.muli %shift_right_arithmetic3A_231, %mul3A_233 : vector<16xi32>
      %shift_right_arithmetic3A_235 = arith.constant 7 : i32
      %shift_right_arithmetic3A_236 = vector.broadcast %shift_right_arithmetic3A_235 : i32 to vector<16xi32>
      %shift_right_arithmetic3A_237 = arith.shrsi %add3A_227, %shift_right_arithmetic3A_236 : vector<16xi32>
      %mul3A_238 = arith.constant 1024 : i32
      %mul3A_239 = vector.broadcast %mul3A_238 : i32 to vector<16xi32>
      %mul3A_240 = arith.muli %shift_right_arithmetic3A_237, %mul3A_239 : vector<16xi32>
      %add3A_241 = arith.addi %mul3A_234, %mul3A_240 : vector<16xi32>
      %and3A_242 = arith.constant 7 : i32
      %and3A_243 = vector.broadcast %and3A_242 : i32 to vector<16xi32>
      %and3A_244 = arith.andi %get3A_229, %and3A_243 : vector<16xi32>
      %mul3A_245 = arith.constant 128 : i32
      %mul3A_246 = vector.broadcast %mul3A_245 : i32 to vector<16xi32>
      %mul3A_247 = arith.muli %and3A_244, %mul3A_246 : vector<16xi32>
      %add3A_248 = arith.addi %add3A_241, %mul3A_247 : vector<16xi32>
      %and3A_249 = arith.constant 127 : i32
      %and3A_250 = vector.broadcast %and3A_249 : i32 to vector<16xi32>
      %and3A_251 = arith.andi %add3A_227, %and3A_250 : vector<16xi32>
      %add3A_252 = arith.addi %add3A_248, %and3A_251 : vector<16xi32>
      %mul3A_253 = arith.constant 16 : i32
      %mul3A_254 = arith.muli %select_n3A_222, %mul3A_253 : i32
      %swap3A_255 = arith.index_cast %select_n3A : i32 to index
      %swap3A_256 = arith.index_cast %mul3A_254 : i32 to index
      %swap3A_257 = tpu.vector_load %arg6[%swap3A_255, %swap3A_256] {strides = array<i32>} : memref<8x128xi32, #tpu.memory_space<vmem>>, vector<1x16xi32>,
      %swap3A_258 = vector.shape_cast %swap3A_257 : vector<1x16xi32> to vector<16xi32>
      %swap3A_259 = vector.shape_cast %add3A_252 : vector<16xi32> to vector<1x16xi32>
      tpu.vector_store %arg6[%swap3A_255, %swap3A_256], %swap3A_259 {strides = array<i32>} : memref<8x128xi32, #tpu.memory_space<vmem>>, vector<1x16xi32>,
      %scan3A_260 = arith.constant 0 : i32
      scf.yield %scan3A_260 : i32
    }
    %scan3A_8 = arith.constant 64 : i32
    %dma_start3A = arith.constant 0 : i32
    %dma_start3A_9 = arith.constant 0 : i32
    %dma_start3A_10 = arith.constant 0 : i32
    %dma_start3A_11 = tpu.memref_slice %arg7[%dma_start3A_9, %dma_start3A_10] : memref<8x128xf32, #tpu.memory_space<vmem>> -> memref<1x128xf32, #tpu.memory_space<vmem>>
    %dma_start3A_12 = tpu.memref_squeeze %dma_start3A_11 : memref<1x128xf32, #tpu.memory_space<vmem>> -> memref<128xf32, #tpu.memory_space<vmem>>
    %dma_start3A_13 = arith.constant 0 : i32
    %dma_start3A_14 = tpu.memref_slice %arg6[%dma_start3A, %dma_start3A_13] : memref<8x128xi32, #tpu.memory_space<vmem>> -> memref<1x128xi32, #tpu.memory_space<vmem>>
    %dma_start3A_15 = tpu.memref_squeeze %dma_start3A_14 : memref<1x128xi32, #tpu.memory_space<vmem>> -> memref<128xi32, #tpu.memory_space<vmem>>
    %dma_start3A_16 = arith.constant 0 : i32
    %dma_start3A_17 = tpu.memref_slice %arg2[%dma_start3A_16] : memref<4194304xf32, #tpu.memory_space<hbm>> -> memref<4194304xf32, #tpu.memory_space<hbm>>
    tpu.enqueue_indirect_dma source(%dma_start3A_17 : memref<4194304xf32, #tpu.memory_space<hbm>>) target(%dma_start3A_12 : memref<128xf32, #tpu.memory_space<vmem>>) offsets(%dma_start3A_15 : memref<128xi32, #tpu.memory_space<vmem>>) semaphore(%arg9 : memref<!tpu.dma_semaphore, #tpu.memory_space<semaphore_mem>>)
    %dma_start3A_18 = arith.constant 1 : i32
    %dma_start3A_19 = arith.constant 1 : i32
    %dma_start3A_20 = arith.constant 0 : i32
    %dma_start3A_21 = tpu.memref_slice %arg7[%dma_start3A_19, %dma_start3A_20] : memref<8x128xf32, #tpu.memory_space<vmem>> -> memref<1x128xf32, #tpu.memory_space<vmem>>
    %dma_start3A_22 = tpu.memref_squeeze %dma_start3A_21 : memref<1x128xf32, #tpu.memory_space<vmem>> -> memref<128xf32, #tpu.memory_space<vmem>>
    %dma_start3A_23 = arith.constant 0 : i32
    %dma_start3A_24 = tpu.memref_slice %arg6[%dma_start3A_18, %dma_start3A_23] : memref<8x128xi32, #tpu.memory_space<vmem>> -> memref<1x128xi32, #tpu.memory_space<vmem>>
    %dma_start3A_25 = tpu.memref_squeeze %dma_start3A_24 : memref<1x128xi32, #tpu.memory_space<vmem>> -> memref<128xi32, #tpu.memory_space<vmem>>
    %dma_start3A_26 = arith.constant 0 : i32
    %dma_start3A_27 = tpu.memref_slice %arg2[%dma_start3A_26] : memref<4194304xf32, #tpu.memory_space<hbm>> -> memref<4194304xf32, #tpu.memory_space<hbm>>
    tpu.enqueue_indirect_dma source(%dma_start3A_27 : memref<4194304xf32, #tpu.memory_space<hbm>>) target(%dma_start3A_22 : memref<128xf32, #tpu.memory_space<vmem>>) offsets(%dma_start3A_25 : memref<128xi32, #tpu.memory_space<vmem>>) semaphore(%arg9 : memref<!tpu.dma_semaphore, #tpu.memory_space<semaphore_mem>>)
    %dma_start3A_28 = arith.constant 2 : i32
    %dma_start3A_29 = arith.constant 2 : i32
    %dma_start3A_30 = arith.constant 0 : i32
    %dma_start3A_31 = tpu.memref_slice %arg7[%dma_start3A_29, %dma_start3A_30] : memref<8x128xf32, #tpu.memory_space<vmem>> -> memref<1x128xf32, #tpu.memory_space<vmem>>
    %dma_start3A_32 = tpu.memref_squeeze %dma_start3A_31 : memref<1x128xf32, #tpu.memory_space<vmem>> -> memref<128xf32, #tpu.memory_space<vmem>>
    %dma_start3A_33 = arith.constant 0 : i32
    %dma_start3A_34 = tpu.memref_slice %arg6[%dma_start3A_28, %dma_start3A_33] : memref<8x128xi32, #tpu.memory_space<vmem>> -> memref<1x128xi32, #tpu.memory_space<vmem>>
    %dma_start3A_35 = tpu.memref_squeeze %dma_start3A_34 : memref<1x128xi32, #tpu.memory_space<vmem>> -> memref<128xi32, #tpu.memory_space<vmem>>
    %dma_start3A_36 = arith.constant 0 : i32
    %dma_start3A_37 = tpu.memref_slice %arg2[%dma_start3A_36] : memref<4194304xf32, #tpu.memory_space<hbm>> -> memref<4194304xf32, #tpu.memory_space<hbm>>
    tpu.enqueue_indirect_dma source(%dma_start3A_37 : memref<4194304xf32, #tpu.memory_space<hbm>>) target(%dma_start3A_32 : memref<128xf32, #tpu.memory_space<vmem>>) offsets(%dma_start3A_35 : memref<128xi32, #tpu.memory_space<vmem>>) semaphore(%arg9 : memref<!tpu.dma_semaphore, #tpu.memory_space<semaphore_mem>>)
    %dma_start3A_38 = arith.constant 3 : i32
    %dma_start3A_39 = arith.constant 3 : i32
    %dma_start3A_40 = arith.constant 0 : i32
    %dma_start3A_41 = tpu.memref_slice %arg7[%dma_start3A_39, %dma_start3A_40] : memref<8x128xf32, #tpu.memory_space<vmem>> -> memref<1x128xf32, #tpu.memory_space<vmem>>
    %dma_start3A_42 = tpu.memref_squeeze %dma_start3A_41 : memref<1x128xf32, #tpu.memory_space<vmem>> -> memref<128xf32, #tpu.memory_space<vmem>>
    %dma_start3A_43 = arith.constant 0 : i32
    %dma_start3A_44 = tpu.memref_slice %arg6[%dma_start3A_38, %dma_start3A_43] : memref<8x128xi32, #tpu.memory_space<vmem>> -> memref<1x128xi32, #tpu.memory_space<vmem>>
    %dma_start3A_45 = tpu.memref_squeeze %dma_start3A_44 : memref<1x128xi32, #tpu.memory_space<vmem>> -> memref<128xi32, #tpu.memory_space<vmem>>
    %dma_start3A_46 = arith.constant 0 : i32
    %dma_start3A_47 = tpu.memref_slice %arg2[%dma_start3A_46] : memref<4194304xf32, #tpu.memory_space<hbm>> -> memref<4194304xf32, #tpu.memory_space<hbm>>
    tpu.enqueue_indirect_dma source(%dma_start3A_47 : memref<4194304xf32, #tpu.memory_space<hbm>>) target(%dma_start3A_42 : memref<128xf32, #tpu.memory_space<vmem>>) offsets(%dma_start3A_45 : memref<128xi32, #tpu.memory_space<vmem>>) semaphore(%arg9 : memref<!tpu.dma_semaphore, #tpu.memory_space<semaphore_mem>>)
    %dma_start3A_48 = arith.constant 4 : i32
    %dma_start3A_49 = arith.constant 4 : i32
    %dma_start3A_50 = arith.constant 0 : i32
    %dma_start3A_51 = tpu.memref_slice %arg7[%dma_start3A_49, %dma_start3A_50] : memref<8x128xf32, #tpu.memory_space<vmem>> -> memref<1x128xf32, #tpu.memory_space<vmem>>
    %dma_start3A_52 = tpu.memref_squeeze %dma_start3A_51 : memref<1x128xf32, #tpu.memory_space<vmem>> -> memref<128xf32, #tpu.memory_space<vmem>>
    %dma_start3A_53 = arith.constant 0 : i32
    %dma_start3A_54 = tpu.memref_slice %arg6[%dma_start3A_48, %dma_start3A_53] : memref<8x128xi32, #tpu.memory_space<vmem>> -> memref<1x128xi32, #tpu.memory_space<vmem>>
    %dma_start3A_55 = tpu.memref_squeeze %dma_start3A_54 : memref<1x128xi32, #tpu.memory_space<vmem>> -> memref<128xi32, #tpu.memory_space<vmem>>
    %dma_start3A_56 = arith.constant 0 : i32
    %dma_start3A_57 = tpu.memref_slice %arg2[%dma_start3A_56] : memref<4194304xf32, #tpu.memory_space<hbm>> -> memref<4194304xf32, #tpu.memory_space<hbm>>
    tpu.enqueue_indirect_dma source(%dma_start3A_57 : memref<4194304xf32, #tpu.memory_space<hbm>>) target(%dma_start3A_52 : memref<128xf32, #tpu.memory_space<vmem>>) offsets(%dma_start3A_55 : memref<128xi32, #tpu.memory_space<vmem>>) semaphore(%arg9 : memref<!tpu.dma_semaphore, #tpu.memory_space<semaphore_mem>>)
    %dma_start3A_58 = arith.constant 5 : i32
    %dma_start3A_59 = arith.constant 5 : i32
    %dma_start3A_60 = arith.constant 0 : i32
    %dma_start3A_61 = tpu.memref_slice %arg7[%dma_start3A_59, %dma_start3A_60] : memref<8x128xf32, #tpu.memory_space<vmem>> -> memref<1x128xf32, #tpu.memory_space<vmem>>
    %dma_start3A_62 = tpu.memref_squeeze %dma_start3A_61 : memref<1x128xf32, #tpu.memory_space<vmem>> -> memref<128xf32, #tpu.memory_space<vmem>>
    %dma_start3A_63 = arith.constant 0 : i32
    %dma_start3A_64 = tpu.memref_slice %arg6[%dma_start3A_58, %dma_start3A_63] : memref<8x128xi32, #tpu.memory_space<vmem>> -> memref<1x128xi32, #tpu.memory_space<vmem>>
    %dma_start3A_65 = tpu.memref_squeeze %dma_start3A_64 : memref<1x128xi32, #tpu.memory_space<vmem>> -> memref<128xi32, #tpu.memory_space<vmem>>
    %dma_start3A_66 = arith.constant 0 : i32
    %dma_start3A_67 = tpu.memref_slice %arg2[%dma_start3A_66] : memref<4194304xf32, #tpu.memory_space<hbm>> -> memref<4194304xf32, #tpu.memory_space<hbm>>
    tpu.enqueue_indirect_dma source(%dma_start3A_67 : memref<4194304xf32, #tpu.memory_space<hbm>>) target(%dma_start3A_62 : memref<128xf32, #tpu.memory_space<vmem>>) offsets(%dma_start3A_65 : memref<128xi32, #tpu.memory_space<vmem>>) semaphore(%arg9 : memref<!tpu.dma_semaphore, #tpu.memory_space<semaphore_mem>>)
    %dma_start3A_68 = arith.constant 6 : i32
    %dma_start3A_69 = arith.constant 6 : i32
    %dma_start3A_70 = arith.constant 0 : i32
    %dma_start3A_71 = tpu.memref_slice %arg7[%dma_start3A_69, %dma_start3A_70] : memref<8x128xf32, #tpu.memory_space<vmem>> -> memref<1x128xf32, #tpu.memory_space<vmem>>
    %dma_start3A_72 = tpu.memref_squeeze %dma_start3A_71 : memref<1x128xf32, #tpu.memory_space<vmem>> -> memref<128xf32, #tpu.memory_space<vmem>>
    %dma_start3A_73 = arith.constant 0 : i32
    %dma_start3A_74 = tpu.memref_slice %arg6[%dma_start3A_68, %dma_start3A_73] : memref<8x128xi32, #tpu.memory_space<vmem>> -> memref<1x128xi32, #tpu.memory_space<vmem>>
    %dma_start3A_75 = tpu.memref_squeeze %dma_start3A_74 : memref<1x128xi32, #tpu.memory_space<vmem>> -> memref<128xi32, #tpu.memory_space<vmem>>
    %dma_start3A_76 = arith.constant 0 : i32
    %dma_start3A_77 = tpu.memref_slice %arg2[%dma_start3A_76] : memref<4194304xf32, #tpu.memory_space<hbm>> -> memref<4194304xf32, #tpu.memory_space<hbm>>
    tpu.enqueue_indirect_dma source(%dma_start3A_77 : memref<4194304xf32, #tpu.memory_space<hbm>>) target(%dma_start3A_72 : memref<128xf32, #tpu.memory_space<vmem>>) offsets(%dma_start3A_75 : memref<128xi32, #tpu.memory_space<vmem>>) semaphore(%arg9 : memref<!tpu.dma_semaphore, #tpu.memory_space<semaphore_mem>>)
    %dma_start3A_78 = arith.constant 7 : i32
    %dma_start3A_79 = arith.constant 7 : i32
    %dma_start3A_80 = arith.constant 0 : i32
    %dma_start3A_81 = tpu.memref_slice %arg7[%dma_start3A_79, %dma_start3A_80] : memref<8x128xf32, #tpu.memory_space<vmem>> -> memref<1x128xf32, #tpu.memory_space<vmem>>
    %dma_start3A_82 = tpu.memref_squeeze %dma_start3A_81 : memref<1x128xf32, #tpu.memory_space<vmem>> -> memref<128xf32, #tpu.memory_space<vmem>>
    %dma_start3A_83 = arith.constant 0 : i32
    %dma_start3A_84 = tpu.memref_slice %arg6[%dma_start3A_78, %dma_start3A_83] : memref<8x128xi32, #tpu.memory_space<vmem>> -> memref<1x128xi32, #tpu.memory_space<vmem>>
    %dma_start3A_85 = tpu.memref_squeeze %dma_start3A_84 : memref<1x128xi32, #tpu.memory_space<vmem>> -> memref<128xi32, #tpu.memory_space<vmem>>
    %dma_start3A_86 = arith.constant 0 : i32
    %dma_start3A_87 = tpu.memref_slice %arg2[%dma_start3A_86] : memref<4194304xf32, #tpu.memory_space<hbm>> -> memref<4194304xf32, #tpu.memory_space<hbm>>
    tpu.enqueue_indirect_dma source(%dma_start3A_87 : memref<4194304xf32, #tpu.memory_space<hbm>>) target(%dma_start3A_82 : memref<128xf32, #tpu.memory_space<vmem>>) offsets(%dma_start3A_85 : memref<128xi32, #tpu.memory_space<vmem>>) semaphore(%arg9 : memref<!tpu.dma_semaphore, #tpu.memory_space<semaphore_mem>>)
    %dma_wait3A = arith.constant 0 : i32
    %dma_wait3A_88 = arith.constant 0 : i32
    %dma_wait3A_89 = arith.constant 0 : i32
    %dma_wait3A_90 = tpu.memref_slice %arg7[%dma_wait3A_88, %dma_wait3A_89] : memref<8x128xf32, #tpu.memory_space<vmem>> -> memref<1x128xf32, #tpu.memory_space<vmem>>
    %dma_wait3A_91 = tpu.memref_squeeze %dma_wait3A_90 : memref<1x128xf32, #tpu.memory_space<vmem>> -> memref<128xf32, #tpu.memory_space<vmem>>
    %dma_wait3A_92 = arith.constant 0 : i32
    %dma_wait3A_93 = tpu.memref_slice %arg6[%dma_wait3A, %dma_wait3A_92] : memref<8x128xi32, #tpu.memory_space<vmem>> -> memref<1x128xi32, #tpu.memory_space<vmem>>
    %dma_wait3A_94 = tpu.memref_squeeze %dma_wait3A_93 : memref<1x128xi32, #tpu.memory_space<vmem>> -> memref<128xi32, #tpu.memory_space<vmem>>
    %dma_wait3A_95 = arith.constant 0 : i32
    %dma_wait3A_96 = tpu.memref_slice %arg2[%dma_wait3A_95] : memref<4194304xf32, #tpu.memory_space<hbm>> -> memref<4194304xf32, #tpu.memory_space<hbm>>
    tpu.wait_indirect_dma semaphore(%arg9 : memref<!tpu.dma_semaphore, #tpu.memory_space<semaphore_mem>>) src(%dma_wait3A_96 : memref<4194304xf32, #tpu.memory_space<hbm>>) dst(%dma_wait3A_91 : memref<128xf32, #tpu.memory_space<vmem>>)
    %dma_wait3A_97 = arith.constant 1 : i32
    %dma_wait3A_98 = arith.constant 1 : i32
    %dma_wait3A_99 = arith.constant 0 : i32
    %dma_wait3A_100 = tpu.memref_slice %arg7[%dma_wait3A_98, %dma_wait3A_99] : memref<8x128xf32, #tpu.memory_space<vmem>> -> memref<1x128xf32, #tpu.memory_space<vmem>>
    %dma_wait3A_101 = tpu.memref_squeeze %dma_wait3A_100 : memref<1x128xf32, #tpu.memory_space<vmem>> -> memref<128xf32, #tpu.memory_space<vmem>>
    %dma_wait3A_102 = arith.constant 0 : i32
    %dma_wait3A_103 = tpu.memref_slice %arg6[%dma_wait3A_97, %dma_wait3A_102] : memref<8x128xi32, #tpu.memory_space<vmem>> -> memref<1x128xi32, #tpu.memory_space<vmem>>
    %dma_wait3A_104 = tpu.memref_squeeze %dma_wait3A_103 : memref<1x128xi32, #tpu.memory_space<vmem>> -> memref<128xi32, #tpu.memory_space<vmem>>
    %dma_wait3A_105 = arith.constant 0 : i32
    %dma_wait3A_106 = tpu.memref_slice %arg2[%dma_wait3A_105] : memref<4194304xf32, #tpu.memory_space<hbm>> -> memref<4194304xf32, #tpu.memory_space<hbm>>
    tpu.wait_indirect_dma semaphore(%arg9 : memref<!tpu.dma_semaphore, #tpu.memory_space<semaphore_mem>>) src(%dma_wait3A_106 : memref<4194304xf32, #tpu.memory_space<hbm>>) dst(%dma_wait3A_101 : memref<128xf32, #tpu.memory_space<vmem>>)
    %dma_wait3A_107 = arith.constant 2 : i32
    %dma_wait3A_108 = arith.constant 2 : i32
    %dma_wait3A_109 = arith.constant 0 : i32
    %dma_wait3A_110 = tpu.memref_slice %arg7[%dma_wait3A_108, %dma_wait3A_109] : memref<8x128xf32, #tpu.memory_space<vmem>> -> memref<1x128xf32, #tpu.memory_space<vmem>>
    %dma_wait3A_111 = tpu.memref_squeeze %dma_wait3A_110 : memref<1x128xf32, #tpu.memory_space<vmem>> -> memref<128xf32, #tpu.memory_space<vmem>>
    %dma_wait3A_112 = arith.constant 0 : i32
    %dma_wait3A_113 = tpu.memref_slice %arg6[%dma_wait3A_107, %dma_wait3A_112] : memref<8x128xi32, #tpu.memory_space<vmem>> -> memref<1x128xi32, #tpu.memory_space<vmem>>
    %dma_wait3A_114 = tpu.memref_squeeze %dma_wait3A_113 : memref<1x128xi32, #tpu.memory_space<vmem>> -> memref<128xi32, #tpu.memory_space<vmem>>
    %dma_wait3A_115 = arith.constant 0 : i32
    %dma_wait3A_116 = tpu.memref_slice %arg2[%dma_wait3A_115] : memref<4194304xf32, #tpu.memory_space<hbm>> -> memref<4194304xf32, #tpu.memory_space<hbm>>
    tpu.wait_indirect_dma semaphore(%arg9 : memref<!tpu.dma_semaphore, #tpu.memory_space<semaphore_mem>>) src(%dma_wait3A_116 : memref<4194304xf32, #tpu.memory_space<hbm>>) dst(%dma_wait3A_111 : memref<128xf32, #tpu.memory_space<vmem>>)
    %dma_wait3A_117 = arith.constant 3 : i32
    %dma_wait3A_118 = arith.constant 3 : i32
    %dma_wait3A_119 = arith.constant 0 : i32
    %dma_wait3A_120 = tpu.memref_slice %arg7[%dma_wait3A_118, %dma_wait3A_119] : memref<8x128xf32, #tpu.memory_space<vmem>> -> memref<1x128xf32, #tpu.memory_space<vmem>>
    %dma_wait3A_121 = tpu.memref_squeeze %dma_wait3A_120 : memref<1x128xf32, #tpu.memory_space<vmem>> -> memref<128xf32, #tpu.memory_space<vmem>>
    %dma_wait3A_122 = arith.constant 0 : i32
    %dma_wait3A_123 = tpu.memref_slice %arg6[%dma_wait3A_117, %dma_wait3A_122] : memref<8x128xi32, #tpu.memory_space<vmem>> -> memref<1x128xi32, #tpu.memory_space<vmem>>
    %dma_wait3A_124 = tpu.memref_squeeze %dma_wait3A_123 : memref<1x128xi32, #tpu.memory_space<vmem>> -> memref<128xi32, #tpu.memory_space<vmem>>
    %dma_wait3A_125 = arith.constant 0 : i32
    %dma_wait3A_126 = tpu.memref_slice %arg2[%dma_wait3A_125] : memref<4194304xf32, #tpu.memory_space<hbm>> -> memref<4194304xf32, #tpu.memory_space<hbm>>
    tpu.wait_indirect_dma semaphore(%arg9 : memref<!tpu.dma_semaphore, #tpu.memory_space<semaphore_mem>>) src(%dma_wait3A_126 : memref<4194304xf32, #tpu.memory_space<hbm>>) dst(%dma_wait3A_121 : memref<128xf32, #tpu.memory_space<vmem>>)
    %dma_wait3A_127 = arith.constant 4 : i32
    %dma_wait3A_128 = arith.constant 4 : i32
    %dma_wait3A_129 = arith.constant 0 : i32
    %dma_wait3A_130 = tpu.memref_slice %arg7[%dma_wait3A_128, %dma_wait3A_129] : memref<8x128xf32, #tpu.memory_space<vmem>> -> memref<1x128xf32, #tpu.memory_space<vmem>>
    %dma_wait3A_131 = tpu.memref_squeeze %dma_wait3A_130 : memref<1x128xf32, #tpu.memory_space<vmem>> -> memref<128xf32, #tpu.memory_space<vmem>>
    %dma_wait3A_132 = arith.constant 0 : i32
    %dma_wait3A_133 = tpu.memref_slice %arg6[%dma_wait3A_127, %dma_wait3A_132] : memref<8x128xi32, #tpu.memory_space<vmem>> -> memref<1x128xi32, #tpu.memory_space<vmem>>
    %dma_wait3A_134 = tpu.memref_squeeze %dma_wait3A_133 : memref<1x128xi32, #tpu.memory_space<vmem>> -> memref<128xi32, #tpu.memory_space<vmem>>
    %dma_wait3A_135 = arith.constant 0 : i32
    %dma_wait3A_136 = tpu.memref_slice %arg2[%dma_wait3A_135] : memref<4194304xf32, #tpu.memory_space<hbm>> -> memref<4194304xf32, #tpu.memory_space<hbm>>
    tpu.wait_indirect_dma semaphore(%arg9 : memref<!tpu.dma_semaphore, #tpu.memory_space<semaphore_mem>>) src(%dma_wait3A_136 : memref<4194304xf32, #tpu.memory_space<hbm>>) dst(%dma_wait3A_131 : memref<128xf32, #tpu.memory_space<vmem>>)
    %dma_wait3A_137 = arith.constant 5 : i32
    %dma_wait3A_138 = arith.constant 5 : i32
    %dma_wait3A_139 = arith.constant 0 : i32
    %dma_wait3A_140 = tpu.memref_slice %arg7[%dma_wait3A_138, %dma_wait3A_139] : memref<8x128xf32, #tpu.memory_space<vmem>> -> memref<1x128xf32, #tpu.memory_space<vmem>>
    %dma_wait3A_141 = tpu.memref_squeeze %dma_wait3A_140 : memref<1x128xf32, #tpu.memory_space<vmem>> -> memref<128xf32, #tpu.memory_space<vmem>>
    %dma_wait3A_142 = arith.constant 0 : i32
    %dma_wait3A_143 = tpu.memref_slice %arg6[%dma_wait3A_137, %dma_wait3A_142] : memref<8x128xi32, #tpu.memory_space<vmem>> -> memref<1x128xi32, #tpu.memory_space<vmem>>
    %dma_wait3A_144 = tpu.memref_squeeze %dma_wait3A_143 : memref<1x128xi32, #tpu.memory_space<vmem>> -> memref<128xi32, #tpu.memory_space<vmem>>
    %dma_wait3A_145 = arith.constant 0 : i32
    %dma_wait3A_146 = tpu.memref_slice %arg2[%dma_wait3A_145] : memref<4194304xf32, #tpu.memory_space<hbm>> -> memref<4194304xf32, #tpu.memory_space<hbm>>
    tpu.wait_indirect_dma semaphore(%arg9 : memref<!tpu.dma_semaphore, #tpu.memory_space<semaphore_mem>>) src(%dma_wait3A_146 : memref<4194304xf32, #tpu.memory_space<hbm>>) dst(%dma_wait3A_141 : memref<128xf32, #tpu.memory_space<vmem>>)
    %dma_wait3A_147 = arith.constant 6 : i32
    %dma_wait3A_148 = arith.constant 6 : i32
    %dma_wait3A_149 = arith.constant 0 : i32
    %dma_wait3A_150 = tpu.memref_slice %arg7[%dma_wait3A_148, %dma_wait3A_149] : memref<8x128xf32, #tpu.memory_space<vmem>> -> memref<1x128xf32, #tpu.memory_space<vmem>>
    %dma_wait3A_151 = tpu.memref_squeeze %dma_wait3A_150 : memref<1x128xf32, #tpu.memory_space<vmem>> -> memref<128xf32, #tpu.memory_space<vmem>>
    %dma_wait3A_152 = arith.constant 0 : i32
    %dma_wait3A_153 = tpu.memref_slice %arg6[%dma_wait3A_147, %dma_wait3A_152] : memref<8x128xi32, #tpu.memory_space<vmem>> -> memref<1x128xi32, #tpu.memory_space<vmem>>
    %dma_wait3A_154 = tpu.memref_squeeze %dma_wait3A_153 : memref<1x128xi32, #tpu.memory_space<vmem>> -> memref<128xi32, #tpu.memory_space<vmem>>
    %dma_wait3A_155 = arith.constant 0 : i32
    %dma_wait3A_156 = tpu.memref_slice %arg2[%dma_wait3A_155] : memref<4194304xf32, #tpu.memory_space<hbm>> -> memref<4194304xf32, #tpu.memory_space<hbm>>
    tpu.wait_indirect_dma semaphore(%arg9 : memref<!tpu.dma_semaphore, #tpu.memory_space<semaphore_mem>>) src(%dma_wait3A_156 : memref<4194304xf32, #tpu.memory_space<hbm>>) dst(%dma_wait3A_151 : memref<128xf32, #tpu.memory_space<vmem>>)
    %dma_wait3A_157 = arith.constant 7 : i32
    %dma_wait3A_158 = arith.constant 7 : i32
    %dma_wait3A_159 = arith.constant 0 : i32
    %dma_wait3A_160 = tpu.memref_slice %arg7[%dma_wait3A_158, %dma_wait3A_159] : memref<8x128xf32, #tpu.memory_space<vmem>> -> memref<1x128xf32, #tpu.memory_space<vmem>>
    %dma_wait3A_161 = tpu.memref_squeeze %dma_wait3A_160 : memref<1x128xf32, #tpu.memory_space<vmem>> -> memref<128xf32, #tpu.memory_space<vmem>>
    %dma_wait3A_162 = arith.constant 0 : i32
    %dma_wait3A_163 = tpu.memref_slice %arg6[%dma_wait3A_157, %dma_wait3A_162] : memref<8x128xi32, #tpu.memory_space<vmem>> -> memref<1x128xi32, #tpu.memory_space<vmem>>
    %dma_wait3A_164 = tpu.memref_squeeze %dma_wait3A_163 : memref<1x128xi32, #tpu.memory_space<vmem>> -> memref<128xi32, #tpu.memory_space<vmem>>
    %dma_wait3A_165 = arith.constant 0 : i32
    %dma_wait3A_166 = tpu.memref_slice %arg2[%dma_wait3A_165] : memref<4194304xf32, #tpu.memory_space<hbm>> -> memref<4194304xf32, #tpu.memory_space<hbm>>
    tpu.wait_indirect_dma semaphore(%arg9 : memref<!tpu.dma_semaphore, #tpu.memory_space<semaphore_mem>>) src(%dma_wait3A_166 : memref<4194304xf32, #tpu.memory_space<hbm>>) dst(%dma_wait3A_161 : memref<128xf32, #tpu.memory_space<vmem>>)
    %broadcast_in_dim3A = arith.constant 0.000000e+00 : f32
    %broadcast_in_dim3A_167 = vector.broadcast %broadcast_in_dim3A : f32 to vector<16xf32>
    %scan3A_168 = arith.constant 0 : i32
    %scan3A_169 = arith.constant 64 : i32
    %scan3A_170 = arith.addi %scan3A_168, %scan3A_169 : i32
    %scan3A_171 = arith.constant 1 : i32
    %scan3A_172:2 = scf.for %scan3A_191 = %scan3A_168 to %scan3A_170 step %scan3A_171 iter_args(%scan3A_192 = %broadcast_in_dim3A_167, %scan3A_193 = %broadcast_in_dim3A_167) -> (vector<16xf32>, vector<16xf32>)  : i32 {
      %jit3A = arith.constant 8 : i32
      %div3A = arith.divsi %scan3A_191, %jit3A : i32
      %sign3A = arith.constant 0 : i32
      %sign3A_194 = arith.cmpi sgt, %scan3A_191, %sign3A : i32
      %sign3A_195 = arith.extui %sign3A_194 : i1 to i32
      %sign3A_196 = arith.constant 0 : i32
      %sign3A_197 = arith.cmpi slt, %scan3A_191, %sign3A_196 : i32
      %sign3A_198 = arith.extui %sign3A_197 : i1 to i32
      %sign3A_199 = arith.subi %sign3A_195, %sign3A_198 : i32
      %sign3A_200 = arith.constant 0 : i32
      %sign3A_201 = arith.cmpi sgt, %jit3A, %sign3A_200 : i32
      %sign3A_202 = arith.extui %sign3A_201 : i1 to i32
      %sign3A_203 = arith.constant 0 : i32
      %sign3A_204 = arith.cmpi slt, %jit3A, %sign3A_203 : i32
      %sign3A_205 = arith.extui %sign3A_204 : i1 to i32
      %sign3A_206 = arith.subi %sign3A_202, %sign3A_205 : i32
      %ne3A = arith.cmpi ne, %sign3A_199, %sign3A_206 : i32
      %rem3A = arith.remsi %scan3A_191, %jit3A : i32
      %ne3A_207 = arith.constant 0 : i32
      %ne3A_208 = arith.cmpi ne, %rem3A, %ne3A_207 : i32
      %and3A = arith.andi %ne3A, %ne3A_208 : i1
      %sub3A = arith.constant 1 : i32
      %sub3A_209 = arith.subi %div3A, %sub3A : i32
      %select_n3A = arith.select %and3A, %sub3A_209, %div3A : i32
      %jit3A_210 = arith.constant 8 : i32
      %eq3A = arith.constant 0 : i32
      %eq3A_211 = arith.cmpi eq, %jit3A_210, %eq3A : i32
      %jit3A_212 = arith.constant 1 : i32
      %select_n3A_213 = arith.select %eq3A_211, %jit3A_212, %jit3A_210 : i32
      %rem3A_214 = arith.remsi %scan3A_191, %select_n3A_213 : i32
      %ne3A_215 = arith.constant 0 : i32
      %ne3A_216 = arith.cmpi ne, %rem3A_214, %ne3A_215 : i32
      %lt3A = arith.constant 0 : i32
      %lt3A_217 = arith.cmpi slt, %rem3A_214, %lt3A : i32
      %lt3A_218 = arith.constant 0 : i32
      %lt3A_219 = arith.cmpi slt, %select_n3A_213, %lt3A_218 : i32
      %ne3A_220 = arith.xori %lt3A_217, %lt3A_219 : i1
      %and3A_221 = arith.andi %ne3A_220, %ne3A_216 : i1
      %add3A_222 = arith.addi %rem3A_214, %select_n3A_213 : i32
      %select_n3A_223 = arith.select %and3A_221, %add3A_222, %rem3A_214 : i32
      %mul3A_224 = arith.constant 16 : i32
      %mul3A_225 = arith.muli %select_n3A_223, %mul3A_224 : i32
      %get3A = arith.index_cast %select_n3A : i32 to index
      %get3A_226 = arith.index_cast %mul3A_225 : i32 to index
      %get3A_227 = tpu.vector_load %arg7[%get3A, %get3A_226] {strides = array<i32>} : memref<8x128xf32, #tpu.memory_space<vmem>>, vector<1x16xf32>,
      %get3A_228 = vector.shape_cast %get3A_227 : vector<1x16xf32> to vector<16xf32>
      %add3A_229 = arith.addf %scan3A_192, %get3A_228 : vector<16xf32>
      %sub3A_230 = arith.constant 2.000000e+00 : f32
      %sub3A_231 = vector.broadcast %sub3A_230 : f32 to vector<16xf32>
      %sub3A_232 = arith.subf %sub3A_231, %get3A_228 : vector<16xf32>
      %max3A = arith.constant 0.000000e+00 : f32
      %max3A_233 = vector.broadcast %max3A : f32 to vector<16xf32>
      %max3A_234 = arith.maximumf %sub3A_232, %max3A_233 : vector<16xf32>
      %add3A_235 = arith.addf %scan3A_193, %max3A_234 : vector<16xf32>
      scf.yield %add3A_229, %add3A_235 : vector<16xf32>, vector<16xf32>
    }
    %scan3A_173 = arith.constant 64 : i32
    %swap3A = arith.constant 0 : index
    %swap3A_174 = tpu.vector_load %arg8[%swap3A] {strides = array<i32>} : memref<16xf32, #tpu.memory_space<vmem>>, vector<16xf32>,
    %swap3A_175 = vector.shape_cast %swap3A_174 : vector<16xf32> to vector<16xf32>
    %swap3A_176 = vector.shape_cast %scan3A_172#0 : vector<16xf32> to vector<16xf32>
    tpu.vector_store %arg8[%swap3A], %swap3A_176 {strides = array<i32>} : memref<16xf32, #tpu.memory_space<vmem>>, vector<16xf32>,
    %mul3A_177 = arith.constant 2 : i32
    %mul3A_178 = arith.muli %add3A, %mul3A_177 : i32
    %mul3A_179 = arith.constant 16 : i32
    %mul3A_180 = arith.muli %mul3A_178, %mul3A_179 : i32
    "tpu.region"() ({
      %run_scoped3A = tpu.sem_alloc : memref<!tpu.dma_semaphore, #tpu.memory_space<semaphore_mem>>
      %dma_start3A_191 = tpu.memref_slice %arg4[%mul3A_180] : memref<1024xf32, #tpu.memory_space<hbm>> -> memref<16xf32, #tpu.memory_space<hbm>>
      %dma_start3A_192 = tpu.memref_slice %arg4[%mul3A_180] : memref<1024xf32, #tpu.memory_space<hbm>> -> memref<16xf32, #tpu.memory_space<hbm>>
      tpu.enqueue_dma source(%arg8 : memref<16xf32, #tpu.memory_space<vmem>>) target(%dma_start3A_192 : memref<16xf32, #tpu.memory_space<hbm>>) target_semaphore(%run_scoped3A : memref<!tpu.dma_semaphore, #tpu.memory_space<semaphore_mem>>)
      %dma_wait3A_193 = tpu.memref_slice %arg4[%mul3A_180] : memref<1024xf32, #tpu.memory_space<hbm>> -> memref<16xf32, #tpu.memory_space<hbm>>
      %dma_wait3A_194 = tpu.memref_slice %arg4[%mul3A_180] : memref<1024xf32, #tpu.memory_space<hbm>> -> memref<16xf32, #tpu.memory_space<hbm>>
      tpu.wait_dma2 semaphore(%run_scoped3A : memref<!tpu.dma_semaphore, #tpu.memory_space<semaphore_mem>>) src(%arg8 : memref<16xf32, #tpu.memory_space<vmem>>) dst(%dma_wait3A_194 : memref<16xf32, #tpu.memory_space<hbm>>)
      tpu.yield
    }) : () -> ()
    %swap3A_181 = arith.constant 0 : index
    %swap3A_182 = tpu.vector_load %arg8[%swap3A_181] {strides = array<i32>} : memref<16xf32, #tpu.memory_space<vmem>>, vector<16xf32>,
    %swap3A_183 = vector.shape_cast %swap3A_182 : vector<16xf32> to vector<16xf32>
    %swap3A_184 = vector.shape_cast %scan3A_172#1 : vector<16xf32> to vector<16xf32>
    tpu.vector_store %arg8[%swap3A_181], %swap3A_184 {strides = array<i32>} : memref<16xf32, #tpu.memory_space<vmem>>, vector<16xf32>,
    %mul3A_185 = arith.constant 2 : i32
    %mul3A_186 = arith.muli %add3A, %mul3A_185 : i32
    %add3A_187 = arith.constant 1 : i32
    %add3A_188 = arith.addi %mul3A_186, %add3A_187 : i32
    %mul3A_189 = arith.constant 16 : i32
    %mul3A_190 = arith.muli %add3A_188, %mul3A_189 : i32
    "tpu.region"() ({
      %run_scoped3A = tpu.sem_alloc : memref<!tpu.dma_semaphore, #tpu.memory_space<semaphore_mem>>
      %dma_start3A_191 = tpu.memref_slice %arg4[%mul3A_190] : memref<1024xf32, #tpu.memory_space<hbm>> -> memref<16xf32, #tpu.memory_space<hbm>>
      %dma_start3A_192 = tpu.memref_slice %arg4[%mul3A_190] : memref<1024xf32, #tpu.memory_space<hbm>> -> memref<16xf32, #tpu.memory_space<hbm>>
      tpu.enqueue_dma source(%arg8 : memref<16xf32, #tpu.memory_space<vmem>>) target(%dma_start3A_192 : memref<16xf32, #tpu.memory_space<hbm>>) target_semaphore(%run_scoped3A : memref<!tpu.dma_semaphore, #tpu.memory_space<semaphore_mem>>)
      %dma_wait3A_193 = tpu.memref_slice %arg4[%mul3A_190] : memref<1024xf32, #tpu.memory_space<hbm>> -> memref<16xf32, #tpu.memory_space<hbm>>
      %dma_wait3A_194 = tpu.memref_slice %arg4[%mul3A_190] : memref<1024xf32, #tpu.memory_space<hbm>> -> memref<16xf32, #tpu.memory_space<hbm>>
      tpu.wait_dma2 semaphore(%run_scoped3A : memref<!tpu.dma_semaphore, #tpu.memory_space<semaphore_mem>>) src(%arg8 : memref<16xf32, #tpu.memory_space<vmem>>) dst(%dma_wait3A_194 : memref<16xf32, #tpu.memory_space<hbm>>)
      tpu.yield
    }) : () -> ()
    return
  }
}

module attributes {stable_mosaic.version = 14 : i64} {
  func.func @_tc_body(%arg0: i32, %arg1: memref<8x256x8x128xf32, #tpu.memory_space<vmem>>, %arg2: memref<1x1xf32, #tpu.memory_space<smem>>, %arg3: memref<1x1xf32, #tpu.memory_space<smem>>) attributes {dimension_semantics = [#tpu.dimension_semantics<arbitrary>], iteration_bounds = array<i64: 2>, scalar_prefetch = 0 : i64, scratch_operands = 0 : i64, tpu.core_type = #tpu.core_type<tc>, window_params = [{transform_indices = @transform_0, window_bounds = array<i64: 8, 256, 8, 128>}, {transform_indices = @transform_1, window_bounds = array<i64: 1, 1>}, {transform_indices = @transform_2, window_bounds = array<i64: 1, 1>}]} {
    %eq3A = arith.constant 0 : i32
    %eq3A_0 = arith.cmpi eq, %arg0, %eq3A : i32
    %convert_element_type3A = arith.extui %eq3A_0 : i1 to i32
    %cond3A = arith.constant 0 : i32
    %cond3A_1 = arith.cmpi ne, %convert_element_type3A, %cond3A : i32
    scf.if %cond3A_1 {
      %swap3A = arith.constant 0.000000e+00 : f32
      %swap3A_14 = arith.constant 0 : index
      %swap3A_15 = arith.constant 0 : index
      %swap3A_16 = memref.load %arg2[%swap3A_14, %swap3A_15] : memref<1x1xf32, #tpu.memory_space<smem>>
      memref.store %swap3A, %arg2[%swap3A_14, %swap3A_15] : memref<1x1xf32, #tpu.memory_space<smem>>
      %swap3A_17 = arith.constant 0.000000e+00 : f32
      %swap3A_18 = arith.constant 0 : index
      %swap3A_19 = arith.constant 0 : index
      %swap3A_20 = memref.load %arg3[%swap3A_18, %swap3A_19] : memref<1x1xf32, #tpu.memory_space<smem>>
      memref.store %swap3A_17, %arg3[%swap3A_18, %swap3A_19] : memref<1x1xf32, #tpu.memory_space<smem>>
    } else {
    }
    %get3A = arith.constant 0 : index
    %get3A_2 = arith.constant 0 : index
    %get3A_3 = arith.constant 0 : index
    %get3A_4 = arith.constant 0 : index
    %get3A_5 = vector.load %arg1[%get3A, %get3A_2, %get3A_3, %get3A_4] : memref<8x256x8x128xf32, #tpu.memory_space<vmem>>, vector<8x256x8x128xf32>
    %lt3A = arith.constant 1 : i32
    %lt3A_6 = arith.cmpi slt, %arg0, %lt3A : i32
    %convert_element_type3A_7 = arith.extui %lt3A_6 : i1 to i32
    %cond3A_8 = arith.constant 0 : i32
    %cond3A_9 = arith.cmpi ne, %convert_element_type3A_7, %cond3A_8 : i32
    scf.if %cond3A_9 {
      %exp3A = math.exp %get3A_5 : vector<8x256x8x128xf32>
      %reduce_sum3A = arith.constant dense<0.000000e+00> : vector<256x8x128xf32>
      %reduce_sum3A_14 = vector.multi_reduction <add>, %exp3A, %reduce_sum3A [0] : vector<8x256x8x128xf32> to vector<256x8x128xf32>
      %reduce_sum3A_15 = arith.constant dense<0.000000e+00> : vector<256x128xf32>
      %reduce_sum3A_16 = vector.multi_reduction <add>, %reduce_sum3A_14, %reduce_sum3A_15 [1] : vector<256x8x128xf32> to vector<256x128xf32>
      %get3A_17 = arith.constant 0 : index
      %get3A_18 = arith.constant 0 : index
      %get3A_19 = memref.load %arg2[%get3A_17, %get3A_18] : memref<1x1xf32, #tpu.memory_space<smem>>
      %log3A = math.log %reduce_sum3A_16 : vector<256x128xf32>
      %reduce_sum3A_20 = vector.shape_cast %log3A : vector<256x128xf32> to vector<1x256x128xf32>
      %reduce_sum3A_21 = arith.constant dense<0.000000e+00> : vector<1xf32>
      %reduce_sum3A_22 = vector.multi_reduction <add>, %reduce_sum3A_20, %reduce_sum3A_21 [1, 2] : vector<1x256x128xf32> to vector<1xf32>
      %reduce_sum3A_23 = vector.shape_cast %reduce_sum3A_22 : vector<1xf32> to vector<1x1x1xf32>
      %reduce_sum3A_24 = vector.extract %reduce_sum3A_23[0, 0, 0] : f32 from vector<1x1x1xf32>
      %add3A = arith.addf %get3A_19, %reduce_sum3A_24 : f32
      %swap3A = arith.constant 0 : index
      %swap3A_25 = arith.constant 0 : index
      %swap3A_26 = memref.load %arg2[%swap3A, %swap3A_25] : memref<1x1xf32, #tpu.memory_space<smem>>
      memref.store %add3A, %arg2[%swap3A, %swap3A_25] : memref<1x1xf32, #tpu.memory_space<smem>>
    } else {
    }
    %ge3A = arith.constant 1 : i32
    %ge3A_10 = arith.cmpi sge, %arg0, %ge3A : i32
    %convert_element_type3A_11 = arith.extui %ge3A_10 : i1 to i32
    %cond3A_12 = arith.constant 0 : i32
    %cond3A_13 = arith.cmpi ne, %convert_element_type3A_11, %cond3A_12 : i32
    scf.if %cond3A_13 {
      %get3A_14 = arith.constant 0 : index
      %get3A_15 = arith.constant 0 : index
      %get3A_16 = memref.load %arg3[%get3A_14, %get3A_15] : memref<1x1xf32, #tpu.memory_space<smem>>
      %add3A = arith.constant 2.000000e+00 : f32
      %add3A_17 = vector.broadcast %add3A : f32 to vector<8x256x8x128xf32>
      %add3A_18 = arith.addf %get3A_5, %add3A_17 : vector<8x256x8x128xf32>
      %max3A = arith.constant 0.000000e+00 : f32
      %max3A_19 = vector.broadcast %max3A : f32 to vector<8x256x8x128xf32>
      %max3A_20 = arith.maximumf %add3A_18, %max3A_19 : vector<8x256x8x128xf32>
      %reduce_sum3A = vector.shape_cast %max3A_20 : vector<8x256x8x128xf32> to vector<1x8x256x8x128xf32>
      %reduce_sum3A_21 = arith.constant dense<0.000000e+00> : vector<1xf32>
      %reduce_sum3A_22 = vector.multi_reduction <add>, %reduce_sum3A, %reduce_sum3A_21 [1, 2, 3, 4] : vector<1x8x256x8x128xf32> to vector<1xf32>
      %reduce_sum3A_23 = vector.shape_cast %reduce_sum3A_22 : vector<1xf32> to vector<1x1x1x1x1xf32>
      %reduce_sum3A_24 = vector.extract %reduce_sum3A_23[0, 0, 0, 0, 0] : f32 from vector<1x1x1x1x1xf32>
      %add3A_25 = arith.addf %get3A_16, %reduce_sum3A_24 : f32
      %swap3A = arith.constant 0 : index
      %swap3A_26 = arith.constant 0 : index
      %swap3A_27 = memref.load %arg3[%swap3A, %swap3A_26] : memref<1x1xf32, #tpu.memory_space<smem>>
      memref.store %add3A_25, %arg3[%swap3A, %swap3A_26] : memref<1x1xf32, #tpu.memory_space<smem>>
    } else {
    }
    return
  }
  func.func @transform_0(%arg0: i32) -> (i32, i32, i32, i32) {
    %c0_i32 = arith.constant 0 : i32
    %c0_i32_0 = arith.constant 0 : i32
    %c0_i32_1 = arith.constant 0 : i32
    %c0_i32_2 = arith.constant 0 : i32
    return %c0_i32, %arg0, %c0_i32_0, %c0_i32_1 : i32, i32, i32, i32
  }
  func.func @transform_1(%arg0: i32) -> (i32, i32) {
    %c0_i32 = arith.constant 0 : i32
    %c0_i32_0 = arith.constant 0 : i32
    %c0_i32_1 = arith.constant 0 : i32
    return %c0_i32, %c0_i32_0 : i32, i32
  }
  func.func @transform_2(%arg0: i32) -> (i32, i32) {
    %c0_i32 = arith.constant 0 : i32
    %c0_i32_0 = arith.constant 0 : i32
    %c0_i32_1 = arith.constant 0 : i32
    return %c0_i32, %c0_i32_0 : i32, i32
  }
}

</mosaic_0001>

<sc_bundles>
// kernel: kernel.4.cloned.1.call-start
scs
__scs_entry_jumppad:
0x0: {  	(pc) =	sbr.rel $0x88, $3  }
0x1: {  	(tag) =	ssettag $0x0;
	lr =	simm.s32 $0x1  }
0x2: {  	[smem:$0x3F9F] =	sst lr;
	_ =	strace $0xD0000000  }
0x3: {  	_ = 	snop  }
0x4: {  	_ = 	snop  }
0x5: {  	_ = 	snop  }
0x6: {  	_ = 	snop  }
0x7: {  	_ = 	snop  }
__scs_overlays_trampoline_lowered:
0x8: {  	[smem:$0x3FAE] =	sst s0  }
0x9: {  	[smem:$0x3FAF] =	sst s1  }
0xa: {  	[smem:$0x3FB0] =	sst s2  }
0xb: {  	[smem:$0x3FB1] =	sst s3  }
0xc: {  	[smem:$0x3FB2] =	sst s4  }
0xd: {  	[smem:$0x3FB3] =	sst s5  }
0xe: {  	[smem:$0x3FB4] =	sst s6  }
0xf: {  	[smem:$0x3FB5] =	sst s7  }
0x10: {  	[smem:$0x3FB6] =	sst s8  }
0x11: {  	[smem:$0x3FB7] =	sst s9;
	s0 =	simm.s32 @!p0 $0x0  }
0x12: {  	s1 =	sld [smem:$0x3F9D];
	s0 =	simm.s32 @p0 $0x1  }
0x13: {  	[smem:$0x3FB8] =	sst s0;
	s0 =	simm.s32 @!p1 $0x0  }
0x14: {  	s2 =	sld [smem:$0x3F9C];
	s0 =	simm.s32 @p1 $0x1  }
0x15: {  	[smem:$0x3FB9] =	sst s0;
	s0 =	simm.s32 @!p2 $0x0  }
0x16: {  	s3 =	sld [smem:$0x3FDB];
	s0 =	simm.s32 @p2 $0x1  }
0x17: {  	s4 =	simm.s32 $0x1BF5;
	[smem:$0x3FBB] =	sst s0  }
0x18: {  	s0 =	sld [smem:$0x3F9E];
	_ =	swait.ge [sflag:s4], $0x0  }
0x19: {  	s7 =	sld [smem:$0x3F9F]  }
0x1a: {  	s8 =	sadd.s32 $0xFFFFE003, lr  }
0x1b: {  	s9 =	sadd.s32 $0xFFFFFEF7, lr;
	s5 =	simm.s32 $0xFFFFFFFF;
	p2 =	slt.u32 s8, $0xFFFFF086  }
0x1c: {  	p1 =	slt.u32 s9, $0xF7A;
	s5 =	simm.s32 @!p2 $0x0  }
0x1d: {  	s5 =	simm.s32 @p1 $0x1;
	p0 =	seq.s32 s7, s2  }
0x1e: {  	s7 =	smul.u32 @!p0 $0xF7A, s2;
	p2 =	seq.s32 @!p0 s5, $0x0  }
0x1f: {  	s9 =	smul.u32 $0xF7A, s1;
	s8 =	simm.s32 @!p0 $0x1BF5;
	p2 =	por !p2, p0  }
0x20: {  	[sflag:s8] =	ssyncset.s32 @!p0 $0xFFFFF086;
	s6 =	sadd.s32 @!p0 s3, s7;
	s7 =	simm.s32 @!p0 $0x108  }
0x21: {  	s3 =	sadd.s32 s3, s9;
	s6 =	sadd.s32 @!p0 $0x88, s6;
	s7 =	simm.s32 @p2 $0x1082  }
0x22: {  	[simem:s7], [sflag:s8] =	dma.local @!p0 [hbm:s6], $0xF7A  }
0x23: {  	s9 =	sor.u32 $0xD0000000, s2;
	s6 =	simm.s32 $0x108;
	_ =	swait.ge @!p0 [sflag:s8], $0x0  }
0x24: {  	s3 =	sadd.s32 $0x88, s3;
	s6 =	simm.s32 @!p1 $0x1082;
	[sflag:s4] =	ssyncset.s32 $0xFFFFF086  }
0x25: {  	[simem:s6], [sflag:s4] =	dma.local [hbm:s3], $0xF7A  }
0x26: {  	[smem:$0x3F9F] =	sst s1;
	(tag) =	ssettag s2;
	_ =	strace s9  }
0x27: {  	s1 =	sld [smem:$0x3FAF]  }
0x28: {  	s2 =	sld [smem:$0x3FB0]  }
0x29: {  	s4 =	sld [smem:$0x3FB2]  }
0x2a: {  	p0 =	seq.s32 s5, $0x0;
	s5 =	sld [smem:$0x3FB3]  }
0x2b: {  	s6 =	sld [smem:$0x3FB4]  }
0x2c: {  	s7 =	sld [smem:$0x3FB5]  }
0x2d: {  	s3 =	simm.s32 $0x108;
	s8 =	sld [smem:$0x3FB6]  }
0x2e: {  	s3 =	simm.s32 @!p0 $0x1082;
	s9 =	sld [smem:$0x3FB7]  }
0x2f: {  	lr =	sadd.s32 s0, s3;
	s0 =	sld [smem:$0x3FAE]  }
0x30: {  	s3 =	sld [smem:$0x3FB1]  }
0x31: {  	[smem:$0x3FBA] =	sst s10  }
0x32: {  	s10 =	sld [smem:$0x3FB8];
	_ =	sdelay $0x3  }
0x33: {  	p0 =	seq.s32 s10, $0x1;
	s10 =	sld [smem:$0x3FBA];
	_ =	sdelay $0x3  }
0x34: {  	[smem:$0x3FBA] =	sst s10  }
0x35: {  	s10 =	sld [smem:$0x3FB9];
	_ =	sdelay $0x3  }
0x36: {  	p1 =	seq.s32 s10, $0x1;
	s10 =	sld [smem:$0x3FBA];
	_ =	sdelay $0x3  }
0x37: {  	[smem:$0x3FBA] =	sst s10  }
0x38: {  	s10 =	sld [smem:$0x3FBB]  }
0x39: {  	_ = 	snop;
	(pc) =	sbr.ind lr, $3  }
0x3a: {  	_ = 	snop  }
0x3b: {  	_ = 	snop  }
0x3c: {  	p2 =	seq.s32 s10, $0x1;
	s10 =	sld [smem:$0x3FBA]  }
0x3d: {  	_ =	shalt  }
0x3e: {  	_ =	shalt  }
0x3f: {  	_ =	shalt  }
0x40: {  	_ =	shalt  }
0x41: {  	_ =	shalt  }
0x42: {  	_ =	shalt  }
0x43: {  	_ =	shalt  }
0x44: {  	_ =	shalt  }
0x45: {  	_ =	shalt  }
0x46: {  	_ =	shalt  }
0x47: {  	_ =	shalt  }
0x48: {  	_ =	shalt  }
0x49: {  	_ =	shalt  }
0x4a: {  	_ =	shalt  }
0x4b: {  	_ =	shalt  }
0x4c: {  	_ =	shalt  }
0x4d: {  	_ =	shalt  }
0x4e: {  	_ =	shalt  }
0x4f: {  	_ =	shalt  }
0x50: {  	_ =	shalt  }
0x51: {  	_ =	shalt  }
0x52: {  	_ =	shalt  }
0x53: {  	_ =	shalt  }
0x54: {  	_ =	shalt  }
0x55: {  	_ =	shalt  }
0x56: {  	_ =	shalt  }
0x57: {  	_ =	shalt  }
0x58: {  	_ =	shalt  }
0x59: {  	_ =	shalt  }
0x5a: {  	_ =	shalt  }
0x5b: {  	_ =	shalt  }
0x5c: {  	_ =	shalt  }
0x5d: {  	_ =	shalt  }
0x5e: {  	_ =	shalt  }
0x5f: {  	_ =	shalt  }
0x60: {  	_ =	shalt  }
0x61: {  	_ =	shalt  }
0x62: {  	_ =	shalt  }
0x63: {  	_ =	shalt  }
0x64: {  	_ =	shalt  }
0x65: {  	_ =	shalt  }
0x66: {  	_ =	shalt  }
0x67: {  	_ =	shalt  }
0x68: {  	_ =	shalt  }
0x69: {  	_ =	shalt  }
0x6a: {  	_ =	shalt  }
0x6b: {  	_ =	shalt  }
0x6c: {  	_ =	shalt  }
0x6d: {  	_ =	shalt  }
0x6e: {  	_ =	shalt  }
0x6f: {  	_ =	shalt  }
0x70: {  	_ =	shalt  }
0x71: {  	_ =	shalt  }
0x72: {  	_ =	shalt  }
0x73: {  	_ =	shalt  }
0x74: {  	_ =	shalt  }
0x75: {  	_ =	shalt  }
0x76: {  	_ =	shalt  }
0x77: {  	_ =	shalt  }
0x78: {  	_ =	shalt  }
0x79: {  	_ =	shalt  }
0x7a: {  	_ =	shalt  }
0x7b: {  	_ =	shalt  }
0x7c: {  	_ =	shalt  }
0x7d: {  	_ =	shalt  }
0x7e: {  	_ =	shalt  }
0x7f: {  	_ =	shalt  }
0x80: {  	_ =	shalt  }
0x81: {  	_ =	shalt  }
0x82: {  	_ =	shalt  }
0x83: {  	_ =	shalt  }
0x84: {  	_ =	shalt  }
0x85: {  	_ =	shalt  }
0x86: {  	_ =	shalt  }
0x87: {  	_ =	shalt  }
.Lfunc_end0:
.L_simem_size_0:
called_computation_lowered:
.L_overlay_start_0:
0x88: {  	s2 =	sld [smem:$0x3FD9]  }
0x89: {  	s3 =	sld [smem:$0x3FFE];
	_ =	sdelay $0x1  }
0x8a: {  	s1 =	srdreg.scid  }
0x8b: {  	s0 =	sand.u32 $0x1, s1  }
0x8c: {  	s17 =	sshll.u32 s0, $0xA;
	s2 =	sadd.s32 s3, s2  }
0x8d: {  	s2 =	sadd.s32 s2, s17  }
0x8e: {  	[smem:$0x3FC6] =	sst s2  }
0x8f: {  	_ = 	snop  }
0x90: {  	s2 =	sld [smem:$0x3FC9];
	(tm) =	ssettm $0x1  }
0x91: {  	s18 =	sld [smem:$0x3FFB];
	_ =	sdelay $0x3  }
0x92: {  	_ =	strace s18  }
0x93: {  	s3 =	sld [smem:$0x3FFC];
	_ =	sdelay $0x3  }
0x94: {  	_ =	strace s3  }
0x95: {  	s3 =	sld [smem:$0x3FFD];
	_ =	sdelay $0x3  }
0x96: {  	_ =	strace s3  }
0x97: {  	_ =	strace $0x8FFFFFFF  }
0x98: {  	s19 =	sld [smem:$0x3FDB];
	_ =	sdelay $0x1  }
0x99: {  	s4 =	simm.s32 $_scs_section_size  }
0x9a: {  	s5 =	simm.s32 $_size__tile_overlayer_lowered;
	s6 =	simm.s32 $_tile_overlayer_lowered  }
0x9b: {  	s22 =	simm.s32 $0x1BFF;
	s21 =	sshll.u32 s6, $0x1;
	s3 =	sadd.s32 s4, s19  }
0x9c: {  	s7 =	simm.s32 $0x0;
	s20 =	sshll.u32 s5, $0x1;
	s5 =	sadd.s32 s21, s3  }
0x9d: {  	[timem:s7], [sflag:s22] =	dma.local [hbm:s5], s20  }
0x9e: {  	_ =	swait.ge [sflag:s22], s20  }
0x9f: {  	s4 =	ssub.s32 $0x0, s20;
	[sflag:s22] =	ssyncset.done $0x0  }
0xa0: {  	[sflag:s22] =	ssyncadd.s32 s4;
	_ =	sdelay $0x1  }
0xa1: {  	s23 =	simm.s32 $0x1B8B  }
0xa2: {  	_ =	swait.ge [sflag:s23], $0x1  }
0xa3: {  	[sflag:s23] =	ssyncset.done $0x0  }
0xa4: {  	s25 =	simm.s32 $0x1B8E;
	s24 =	sld [smem:$0x3FFE];
	[sflag:s23] =	ssyncadd.s32 $0xFFFFFFFF  }
0xa5: {  	s26 =	simm.s32 $execute0_lowered;
	[smem:$0x3FD2] =	sst s25  }
0xa6: {  	s5 =	sshll.u32 s26, $0x1;
	_ =	strace $0x80000046;
	[dreg:$0x1] =	wrdreg $0xFFFFFFFF  }
0xa7: {  	s28 =	simm.s32 $_size_execute0_lowered;
	s3 =	sadd.s32 s3, s5;
	[dreg:$0x0] =	wrdreg $0x0  }
0xa8: {  	s5 =	sshll.u32 s28, $0x1;
	[dreg:$0x2] =	wrdreg s3  }
0xa9: {  	[dreg:$0x3] =	wrdreg s5  }
0xaa: {  	[dreg:$0x4] =	wrdreg $0xC0  }
0xab: {  	_ =	task [dreg:s7], $0x5FFFF  }
0xac: {  	[dreg:$0x1] =	wrdreg $0xFFFFFFFF  }
0xad: {  	[dreg:$0x0] =	wrdreg $0x60  }
0xae: {  	[dreg:$0x2] =	wrdreg s2  }
0xaf: {  	[dreg:$0x3] =	wrdreg s24  }
0xb0: {  	[dreg:$0x4] =	wrdreg $0x9  }
0xb1: {  	_ =	task.clear_ibuf [dreg:s7], $0x5FFFF;
	_ =	strace $0x90000046  }
0xb2: {  	s29 =	simm.s32 $0x9;
	_ =	strace $0x80000048  }
0xb3: {  	_ =	swait.ge [sflag:s29], $0x1  }
0xb4: {  	[sflag:s29] =	ssyncadd.s32 $0xFFFFFFFF  }
0xb5: {  	_ =	strace $0x90000048  }
0xb6: {  	_ =	sfence  }
0xb7: {  	s30 =	sld [smem:$0x0];
	_ =	sdelay $0x2  }
0xb8: {  	s31 =	sshll.u32 s1, $0xD;
	s1 =	sshrl.u32 s1, $0x2  }
0xb9: {  	s3 =	sand.u32 $0x4000, s31;
	s1 =	sadd.s32 s1, s30  }
0xba: {  	s0 =	sor.u32 s3, s0;
	s1 =	sshll.u32 s1, $0x11  }
0xbb: {  	s0 =	sor.u32 s1, s0  }
0xbc: {  	s0 =	sadd.s32 $0x8F2B, s0  }
0xbd: {  	[sflag:s0] =	ssyncadd.remote.s32 $0x1  }
0xbe: {  	_ =	sfence.sel $0xFFFF  }
0xbf: {  	[dreg:$0x0] =	wrdreg $0xFFFFFFFF;
	(pc) =	sbr.abs _section_cstart, $3  }
0xc0: {  	[dreg:$0x1] =	wrdreg $0xFFFFFFFF  }
0xc1: {  	_ =	task.clear_ibuf [dreg:s7], $0x2FFFF;
	_ =	strace $0x9FFFFFFF  }
0xc2: {  	(tm) =	ssettm $0x7FFFFFFF  }
0xc3: {  	_ =	shalt  }
tec
execute0_lowered:
.L_overlay_start_1:
0x0: {  	(tag) =	ssettag $0x1  }
0x1: {  	s1 =	rddreg [dreg:$0x0]  }
0x2: {  	s0 =	rddreg [dreg:$0x1];
	s3 =	simm.s32 $0x0  }
0x3: {  	s2 =	srdreg.scid;
	s8 =	stileid.u32;
	s9 =	simm.s32 $0x2  }
0x4: {  	s10 =	simm.s32 $0x80;
	s13 =	simm.s32 $0x480;
	s14 =	simm.s32 $0x880  }
0x5: {  	s15 =	simm.s32 $0x500;
	s16 =	simm.s32 $0x900;
	s17 =	simm.s32 $0x580  }
0x6: {  	s18 =	simm.s32 $0x980;
	s19 =	simm.s32 $0x600;
	s20 =	simm.s32 $0xA00  }
0x7: {  	s21 =	simm.s32 $0x680;
	s22 =	simm.s32 $0xA80;
	s23 =	simm.s32 $0x700  }
0x8: {  	s24 =	simm.s32 $0xB00;
	s25 =	simm.s32 $0x780;
	s26 =	simm.s32 $0xB80  }
0x9: {  	s28 =	simm.s32 $0x1;
	s29 =	simm.s32 $0xC00;
	s30 =	simm.s32 $0x0  }
0xa: {  	[smem:$0x7FF] =	sst s3;
	s2 =	sand.u32 $0x1, s2;
	s4 =	sshll.u32 s8, $0x1  }
0xb: {  	s31 =	sshll.u32 s8, $0xB;
	_ =	strace $0x80000047;
	s4 =	sor.u32 s2, s4  }
0xc: {  	s5 =	ssub.s32 $0x2, s2;
	s2 =	sshll.u32 s2, $0xA;
	s6 =	sshll.u32 s4, $0x2  }
0xd: {  	s7 =	sshrl.u32 s5, $0x1;
	s4 =	sshll.u32 s4, $0x7;
	s8 =	sor.u32 s2, s31  }
0xe: {  	s6 =	sadd.s32 s6, s0;
	s7 =	ssub.s32 s5, s7;
	s4 =	sadd.s32 s0, s4  }
0xf: {  	v0 =	vlaneseq.u32;
	s5 =	sadd.s32 $0x1000, s6;
	s6 =	sadd.s32 $0x1002, s6;
	s7 =	smax.u32 s7, $0x1  }
.LBB2_1:
0x10: {  	[tilespmem:s3], [sflag:$0x2] =	stream.linear.gather [hbm4b:s4+s3], $0x400, $0x38;
	[tilespmem:$0xC80] =	vst v63  }
0x11: {  	_ =	swait.ge [sflag:s9], $0x400  }
0x12: {  	[sflag:s9] =	ssyncset.done $0x0  }
0x13: {  	s0 =	simm.s32 $0x0;
	[sflag:s9] =	ssyncadd.s32 $0xFFFFFC00  }
0x14: {  	v1 =	vld [tilespmem:s0+$0x0];
	_ =	sdelay $0x2  }
0x15: {  	s11 =	sadd.s32 $0x0, s8  }
0x16: {  	v2 =	vmov s11  }
0x17: {  	v2 =	vshll.u32 v2, $0x3;
	v3 =	vshll.u32 v1, $0x10  }
0x18: {  	v2 =	vand.u32 $0x7FFFFC00, v2;
	v1 =	vshll.u32 v1, $0x7;
	v3 =	vand.u32 $0xFFF80000, v3  }
0x19: {  	s12 =	sand.u32 $0xE00, s3;
	v4 =	vor.u32 s11, v0;
	v1 =	vand.u32 $0x380, v1;
	v2 =	vadd.s32 v2, v3  }
0x1a: {  	s2 =	sand.u32 $0x70, s3;
	s0 =	sshrl.u32 s12, $0x2;
	v1 =	vor.u32 v1, v2;
	v2 =	vand.u32 $0x7F, v4  }
0x1b: {  	s31 =	simm.s32 $0x40;
	s0 =	sor.u32 s2, s0;
	v1 =	vor.u32 v2, v1  }
0x1c: {  	s11 =	simm.s32 $0x10;
	s2 =	simm.s32 $0x80;
	[tilespmem:s0+$0x400] =	vst v1;
	s0 =	simm.s32 $0x0  }
.LBB2_2:
0x1d: {  	p0 =	sne.s32 s2, $0xFC0;
	v1 =	vld [tilespmem:s11+$0x0];
	_ =	sdelay $0x1  }
0x1e: {  	s0 =	sadd.s32 $0x10, s0  }
0x1f: {  	s11 =	sadd.s32 s0, s8  }
0x20: {  	v2 =	vmov s11  }
0x21: {  	v2 =	vshll.u32 v2, $0x3;
	v3 =	vshll.u32 v1, $0x10  }
.Ltmp0:
0x22: {  	v2 =	vand.u32 $0x7FFFFC00, v2;
	v1 =	vshll.u32 v1, $0x7;
	v3 =	vand.u32 $0xFFF80000, v3;
	(pc) =	sbr.rel @p0 .LBB2_2-.Ltmp0, $4  }
0x23: {  	v4 =	vor.u32 s11, v0;
	s11 =	sand.u32 $0xE00, s31;
	s31 =	smov.u32 s2;
	v1 =	vand.u32 $0x380, v1;
	v2 =	vadd.s32 v2, v3  }
0x24: {  	s12 =	sand.u32 $0x70, s0;
	s11 =	sshrl.u32 s11, $0x2;
	v1 =	vor.u32 v1, v2;
	v2 =	vand.u32 $0x7F, v4  }
0x25: {  	s12 =	sor.u32 s12, s11;
	v1 =	vor.u32 v2, v1  }
0x26: {  	s2 =	sadd.s32 $0x40, s2;
	s11 =	sshra.s32 s31, $0x2;
	[tilespmem:s12+$0x400] =	vst v1  }
0x27: {  	v1 =	vld [tilespmem:s11+$0x0];
	_ =	sdelay $0x1  }
0x28: {  	s0 =	sadd.s32 $0x10, s0  }
0x29: {  	s2 =	sadd.s32 s0, s8  }
0x2a: {  	v2 =	vmov s2  }
0x2b: {  	v2 =	vshll.u32 v2, $0x3;
	v3 =	vshll.u32 v1, $0x10  }
0x2c: {  	v2 =	vand.u32 $0x7FFFFC00, v2;
	v1 =	vshll.u32 v1, $0x7;
	v3 =	vand.u32 $0xFFF80000, v3  }
0x2d: {  	s31 =	sand.u32 $0xE00, s31;
	v4 =	vor.u32 s2, v0;
	v1 =	vand.u32 $0x380, v1;
	v2 =	vadd.s32 v2, v3  }
0x2e: {  	s0 =	sand.u32 $0x70, s0;
	s2 =	sshrl.u32 s31, $0x2;
	v1 =	vor.u32 v1, v2;
	v2 =	vand.u32 $0x7F, v4  }
0x2f: {  	s0 =	sor.u32 s0, s2;
	v1 =	vor.u32 v2, v1  }
0x30: {  	s11 =	simm.s32 $0x800;
	s2 =	simm.s32 $0x400;
	[tilespmem:s0+$0x400] =	vst v1  }
0x31: {  	[tilespmem:s11], [sflag:$0x1] =	stream.indirect.gather [hbm4b:s1+s10], $0x1, s2, s10, $0xb8;
	[tilespmem:$0xC80] =	vst v63  }
0x32: {  	_ = 	snop  }
0x33: {  	[tilespmem:s14], [sflag:$0x1] =	stream.indirect.gather [hbm4b:s1+s10], $0x1, s13, s10, $0xb8;
	[tilespmem:$0xC80] =	vst v63  }
0x34: {  	_ = 	snop  }
0x35: {  	[tilespmem:s16], [sflag:$0x1] =	stream.indirect.gather [hbm4b:s1+s10], $0x1, s15, s10, $0xb8;
	[tilespmem:$0xC80] =	vst v63  }
0x36: {  	_ = 	snop  }
0x37: {  	[tilespmem:s18], [sflag:$0x1] =	stream.indirect.gather [hbm4b:s1+s10], $0x1, s17, s10, $0xb8;
	[tilespmem:$0xC80] =	vst v63  }
0x38: {  	_ = 	snop  }
0x39: {  	[tilespmem:s20], [sflag:$0x1] =	stream.indirect.gather [hbm4b:s1+s10], $0x1, s19, s10, $0xb8;
	[tilespmem:$0xC80] =	vst v63  }
0x3a: {  	_ = 	snop  }
0x3b: {  	[tilespmem:s22], [sflag:$0x1] =	stream.indirect.gather [hbm4b:s1+s10], $0x1, s21, s10, $0xb8;
	[tilespmem:$0xC80] =	vst v63  }
0x3c: {  	_ = 	snop  }
0x3d: {  	[tilespmem:s24], [sflag:$0x1] =	stream.indirect.gather [hbm4b:s1+s10], $0x1, s23, s10, $0xb8;
	[tilespmem:$0xC80] =	vst v63  }
0x3e: {  	_ = 	snop  }
0x3f: {  	[tilespmem:s26], [sflag:$0x1] =	stream.indirect.gather [hbm4b:s1+s10], $0x1, s25, s10, $0xb8;
	[tilespmem:$0xC80] =	vst v63  }
0x40: {  	_ =	swait.ge [sflag:s28], $0x80  }
0x41: {  	[sflag:s28] =	ssyncset.done $0x0  }
0x42: {  	[sflag:s28] =	ssyncadd.s32 $0xFFFFFF80  }
0x43: {  	_ =	swait.ge [sflag:s28], $0x80  }
0x44: {  	[sflag:s28] =	ssyncset.done $0x0  }
0x45: {  	[sflag:s28] =	ssyncadd.s32 $0xFFFFFF80  }
0x46: {  	_ =	swait.ge [sflag:s28], $0x80  }
0x47: {  	[sflag:s28] =	ssyncset.done $0x0  }
0x48: {  	[sflag:s28] =	ssyncadd.s32 $0xFFFFFF80  }
0x49: {  	_ =	swait.ge [sflag:s28], $0x80  }
0x4a: {  	[sflag:s28] =	ssyncset.done $0x0  }
0x4b: {  	[sflag:s28] =	ssyncadd.s32 $0xFFFFFF80  }
0x4c: {  	_ =	swait.ge [sflag:s28], $0x80  }
0x4d: {  	[sflag:s28] =	ssyncset.done $0x0  }
0x4e: {  	[sflag:s28] =	ssyncadd.s32 $0xFFFFFF80  }
0x4f: {  	_ =	swait.ge [sflag:s28], $0x80  }
0x50: {  	[sflag:s28] =	ssyncset.done $0x0  }
0x51: {  	[sflag:s28] =	ssyncadd.s32 $0xFFFFFF80  }
0x52: {  	_ =	swait.ge [sflag:s28], $0x80  }
0x53: {  	[sflag:s28] =	ssyncset.done $0x0  }
0x54: {  	s12 =	simm.s32 $0x0;
	[sflag:s28] =	ssyncadd.s32 $0xFFFFFF80  }
0x55: {  	s31 =	sand.u32 $0xE00, s12;
	_ =	swait.ge [sflag:s28], $0x80  }
0x56: {  	s0 =	sand.u32 $0x70, s12;
	s2 =	sshrl.u32 s31, $0x2;
	[sflag:s28] =	ssyncset.done $0x0  }
0x57: {  	s2 =	sor.u32 s0, s2;
	[sflag:s28] =	ssyncadd.s32 $0xFFFFFF80  }
0x58: {  	v3 =	vld [tilespmem:s2+$0x800];
	_ =	sdelay $0x1  }
0x59: {  	v2 =	vimm.f32 $0.0e+00;
	v1 =	vimm.f32 $0.0e+00;
	s0 =	simm.s32 $0x40;
	s2 =	simm.s32 $0x10  }
.LBB2_4:
0x5a: {  	s11 =	sand.u32 $0xE00, s0;
	p0 =	sne.s32 s0, $0xFC0;
	s0 =	sadd.s32 $0x40, s0  }
.Ltmp1:
0x5b: {  	s12 =	sand.u32 $0x70, s2;
	s11 =	sshrl.u32 s11, $0x2;
	(pc) =	sbr.rel @p0 .LBB2_4-.Ltmp1, $4  }
0x5c: {  	s11 =	sor.u32 s12, s11;
	v2 =	vadd.f32 v3, v2;
	v4 =	vsub.f32 $2.000000000e+00, v3  }
0x5d: {  	v3 =	vld [tilespmem:s11+$0x800]  }
0x5e: {  	v4 =	vmax.f32 v4, $0.0e+00  }
0x5f: {  	s2 =	sadd.s32 $0x10, s2;
	v1 =	vadd.f32 v4, v1  }
0x60: {  	_ =	sdelay $0x1  }
0x61: {  	v2 =	vadd.f32 v3, v2;
	_ =	sdelay $0x1  }
0x62: {  	v3 =	vsub.f32 $2.000000000e+00, v3;
	[tilespmem:$0xC00] =	vst v2  }
0x63: {  	[hbm4b:s5+s3] =	stream.linear.scatter [tilespmem:s29], [sflag:$0x2], $0x10, $0x38;
	[tilespmem:$0xC80] =	vst v63  }
0x64: {  	v2 =	vmax.f32 v3, $0.0e+00;
	_ =	swait.ge [sflag:s9], $0x10  }
0x65: {  	s30 =	sadd.s32 $0x1, s30;
	v1 =	vadd.f32 v2, v1;
	[sflag:s9] =	ssyncset.done $0x0  }
0x66: {  	p0 =	sne.s32 s30, s7;
	[sflag:s9] =	ssyncadd.s32 $0xFFFFFFF0  }
.Ltmp2:
0x67: {  	[tilespmem:$0xC00] =	vst v1;
	(pc) =	sbr.rel @p0 .LBB2_1-.Ltmp2, $4  }
0x68: {  	[hbm4b:s6+s3] =	stream.linear.scatter [tilespmem:s29], [sflag:$0x2], $0x10, $0x38;
	[tilespmem:$0xC80] =	vst v63  }
0x69: {  	_ =	swait.ge [sflag:s9], $0x10  }
0x6a: {  	[sflag:s9] =	ssyncset.done $0x0  }
0x6b: {  	[sflag:s9] =	ssyncadd.s32 $0xFFFFFFF0  }
0x6c: {  	_ =	sfence.sel $0x180000  }
0x6d: {  	[bflag:$0x0] =	sbarrier.arrive $0xFFFF  }
0x6e: {  	_ =	strace $0x90000047  }
0x6f: {  	s0 =	stileid.u32;
	[bflag:$0x2] =	sbarrier.arrive $0xFFFF  }
0x70: {  	p0 =	sne.s32 s0, $0x0;
	s0 =	rddreg [dreg:$0x2]  }
0x71: {  	s0 =	sadd.s32 @!p0 $0x100000, s0  }
0x72: {  	[sflag:s0] =	ssyncadd.tile.s32 @!p0 $0x1;
	_ =	shalt  }
.Lfunc_end2:
_tile_overlayer_lowered:
.L_overlay_start_2:
0x73: {  	(tag) =	ssettag $0x2  }
0x74: {  	s0 =	rddreg [dreg:$0x0];
	s2 =	stileid.u32  }
0x75: {  	s1 =	rddreg [dreg:$0x1];
	p0 =	sne.s32 s2, $0x0  }
0x76: {  	s3 =	rddreg [dreg:$0x2];
	[bflag:$0x3] =	sbarrier.arrive $0xFFFF;
	s2 =	simm.s32 @!p0 $0x1C02  }
0x77: {  	[timem:s3], [sflag:s2] =	dma.local @!p0 [hbm:s0], s1  }
0x78: {  	s0 =	simm.s32 @!p0 $0x2  }
0x79: {  	_ =	swait.ge @!p0 [sflag:s0], s1  }
0x7a: {  	s1 =	ssub.s32 @!p0 $0x0, s1;
	[sflag:s0] =	ssyncset.done @!p0 $0x0  }
0x7b: {  	[sflag:s0] =	ssyncadd.s32 @!p0 s1  }
0x7c: {  	[bflag:$0x3] =	sbarrier.arrive $0xFFFF  }
0x7d: {  	_ =	shalt  }

</sc_bundles>
